<compile_context>
chip_gen: v7x
topology: tpu7x:2x2x1
jax: 0.10.2.dev20260603
libtpu: 0.0.44.dev20260713+nightly
codegen_flags: <defaults>
</compile_context>

<pallas_src>
import functools

import jax
import jax.numpy as jnp
from jax import lax
from jax.experimental import pallas as pl
from jax.experimental.pallas import tpu as pltpu, tpu_sc as plsc

B, D, T = 8, 1024, 2048
CB_DIM, CB_SIZE = 8, 8192
TB = 256
DPAD = 128


def _row_sum8(sq):
    s1 = sq[:, 0:4] + sq[:, 4:8]
    s2 = s1[:, 0:2] + s1[:, 2:4]
    return s2[:, 0:1] + s2[:, 1:2]


def _encode_body(z_ref, w_in_ref, b_in_ref, cbnt_ref, c_ref, idx_ref, ze_ref):
    zb = z_ref[0]
    ze = jnp.dot(w_in_ref[...], zb, preferred_element_type=jnp.float32)
    ze = ze + b_in_ref[...]
    ze_ref[0] = ze

    zet = ze.T
    n2 = _row_sum8(zet * zet)
    en = zet / jnp.maximum(jnp.sqrt(n2), 1e-12)
    a = _row_sum8(en * en)

    m = jnp.dot(en, cbnt_ref[...], preferred_element_type=jnp.float32)
    sc = -((a - 2.0 * m) + c_ref[...])

    mx = jnp.max(sc, axis=1, keepdims=True)
    ii = jax.lax.broadcasted_iota(jnp.int32, (TB, CB_SIZE), 1)
    idx = jnp.min(jnp.where(sc == mx, ii, CB_SIZE), axis=1, keepdims=True)
    idx_ref[0] = idx


def _decode_body(q_ref, ze_ref, w_out_ref, b_out_ref, zq_ref):
    q = q_ref[0][:, 0:CB_DIM]
    ze = ze_ref[0]
    qst = ze + (q.T - ze)
    out = jnp.dot(w_out_ref[...], qst, preferred_element_type=jnp.float32)
    zq_ref[0] = out + b_out_ref[...]


def _sc_gather(table, idx_flat):
    info = plsc.get_sparse_core_info()
    nw = info.num_cores * info.num_subcores
    b_per_w = (B * T) // nw
    mesh = plsc.VectorSubcoreMesh(core_axis_name="c", subcore_axis_name="s")

    @functools.partial(
        pl.kernel, mesh=mesh,
        out_type=jax.ShapeDtypeStruct((B * T, DPAD), jnp.float32),
        scratch_types=[
            pltpu.VMEM((b_per_w,), jnp.int32),
            pltpu.VMEM((b_per_w, DPAD), jnp.float32),
            pltpu.SemaphoreType.DMA,
        ],
    )
    def gather_k(table_hbm, idx_hbm, out_hbm, idx_v, rows_v, sem):
        wid = lax.axis_index("s") * info.num_cores + lax.axis_index("c")
        base = wid * b_per_w
        pltpu.sync_copy(idx_hbm.at[pl.ds(base, b_per_w)], idx_v)
        pltpu.async_copy(table_hbm.at[idx_v], rows_v, sem).wait()
        pltpu.sync_copy(rows_v, out_hbm.at[pl.ds(base, b_per_w)])

    return gather_k(table, idx_flat)


@functools.partial(jax.jit, static_argnames=())
def kernel(z, v_in, g_in, b_in, v_out, g_out, b_out, codebook):
    n_in = jnp.sqrt(jnp.sum(v_in * v_in, axis=(1, 2), keepdims=True))
    w_in = (g_in * v_in / n_in)[:, :, 0]
    n_out = jnp.sqrt(jnp.sum(v_out * v_out, axis=(1, 2), keepdims=True))
    w_out = (g_out * v_out / n_out)[:, :, 0]
    cb_n = codebook / jnp.maximum(
        jnp.linalg.norm(codebook, axis=1, keepdims=True), 1e-12)
    c_row = jnp.sum(cb_n * cb_n, axis=1)[None, :]
    cb_pad = jnp.pad(codebook, ((0, 0), (0, DPAD - CB_DIM)))

    grid = (B, T // TB)
    idx3, ze = pl.pallas_call(
        _encode_body,
        grid=grid,
        in_specs=[
            pl.BlockSpec((1, D, TB), lambda b, t: (b, 0, t)),
            pl.BlockSpec((CB_DIM, D), lambda b, t: (0, 0)),
            pl.BlockSpec((CB_DIM, 1), lambda b, t: (0, 0)),
            pl.BlockSpec((CB_DIM, CB_SIZE), lambda b, t: (0, 0)),
            pl.BlockSpec((1, CB_SIZE), lambda b, t: (0, 0)),
        ],
        out_specs=[
            pl.BlockSpec((1, TB, 1), lambda b, t: (b, t, 0)),
            pl.BlockSpec((1, CB_DIM, TB), lambda b, t: (b, 0, t)),
        ],
        out_shape=[
            jax.ShapeDtypeStruct((B, T, 1), jnp.int32),
            jax.ShapeDtypeStruct((B, CB_DIM, T), jnp.float32),
        ],
    )(z, w_in, b_in[:, None], cb_n.T, c_row)

    q_rows = _sc_gather(cb_pad, idx3.reshape(B * T))
    q_rows = q_rows.reshape(B, T, DPAD)

    zq = pl.pallas_call(
        _decode_body,
        grid=grid,
        in_specs=[
            pl.BlockSpec((1, TB, DPAD), lambda b, t: (b, t, 0)),
            pl.BlockSpec((1, CB_DIM, TB), lambda b, t: (b, 0, t)),
            pl.BlockSpec((D, CB_DIM), lambda b, t: (0, 0)),
            pl.BlockSpec((D, 1), lambda b, t: (0, 0)),
        ],
        out_specs=pl.BlockSpec((1, D, TB), lambda b, t: (b, 0, t)),
        out_shape=jax.ShapeDtypeStruct((B, D, T), jnp.float32),
    )(q_rows, ze, w_out, b_out[:, None])

    return zq, idx3.reshape(B, T), ze

# --- scband reference (transcript-rebuilt; emitter-appended) ---
"""Pipeline reference for scband-factorized-vector-quantize-79456894976094 (READ-ONLY COPY).

The authoritative reference and input builder live on the scoring server;
editing this copy changes nothing except your own understanding.
"""

import jax, jax.numpy as jnp
import numpy as np

B, D, T = 8, 1024, 2048
CB_DIM, CB_SIZE = 8, 8192


def _wn(v, g):
    # torch weight_norm with dim=0: per-output-channel norm over remaining dims
    n = jnp.sqrt(jnp.sum(v * v, axis=(1, 2), keepdims=True))
    return g * v / n


def setup_inputs(seed: int = 0) -> dict:
    key = jax.random.key(seed)
    ks = jax.random.split(key, 6)
    z = jax.random.normal(ks[0], (B, D, T), dtype=jnp.float32)
    v_in = jax.random.normal(ks[1], (CB_DIM, D, 1), dtype=jnp.float32) * (1.0 / np.sqrt(D))
    g_in = jnp.sqrt(jnp.sum(v_in * v_in, axis=(1, 2), keepdims=True))
    b_in = jnp.zeros((CB_DIM,), dtype=jnp.float32)
    v_out = jax.random.normal(ks[2], (D, CB_DIM, 1), dtype=jnp.float32) * (1.0 / np.sqrt(CB_DIM))
    g_out = jnp.sqrt(jnp.sum(v_out * v_out, axis=(1, 2), keepdims=True))
    b_out = jnp.zeros((D,), dtype=jnp.float32)
    codebook = jax.random.normal(ks[3], (CB_SIZE, CB_DIM), dtype=jnp.float32)
    return {"z": z, "v_in": v_in, "g_in": g_in, "b_in": b_in,
            "v_out": v_out, "g_out": g_out, "b_out": b_out, "codebook": codebook}


def reference(z, v_in, g_in, b_in, v_out, g_out, b_out, codebook):
    W_in = _wn(v_in, g_in)[:, :, 0]    # [CB_DIM, D]
    W_out = _wn(v_out, g_out)[:, :, 0]  # [D, CB_DIM]
    # in_project: 1x1 conv == matmul over channel dim
    z_e = jnp.einsum('od,bdt->bot', W_in, z) + b_in[None, :, None]  # [B, CB_DIM, T]
    # decode latents
    enc = jnp.transpose(z_e, (0, 2, 1)).reshape(-1, CB_DIM)  # [B*T, CB_DIM]
    enc_n = enc / jnp.maximum(jnp.linalg.norm(enc, axis=1, keepdims=True), 1e-12)
    cb_n = codebook / jnp.maximum(jnp.linalg.norm(codebook, axis=1, keepdims=True), 1e-12)
    dist = (jnp.sum(enc_n * enc_n, axis=1, keepdims=True)
            - 2.0 * enc_n @ cb_n.T
            + jnp.sum(cb_n * cb_n, axis=1)[None, :])
    indices = jnp.argmax(-dist, axis=1).reshape(B, T)  # [B, T]
    z_q = jnp.transpose(jnp.take(codebook, indices, axis=0), (0, 2, 1))  # [B, CB_DIM, T]
    # straight-through estimator
    z_q = z_e + jax.lax.stop_gradient(z_q - z_e)
    # out_project
    z_q = jnp.einsum('od,bdt->bot', W_out, z_q) + b_out[None, :, None]  # [B, D, T]
    return (z_q, indices, z_e)

if __name__ == "__main__":
    import jax
    _d = setup_inputs()
    print(jax.jit(kernel)(*tuple(_d.values())))

</pallas_src>

<mosaic_0001>
#map = affine_map<(d0, d1) -> (0, 0)>
#map1 = affine_map<(d0, d1) -> (0)>
module attributes {stable_mosaic.version = 14 : i64} {
  func.func @gather_k(%arg0: i32, %arg1: i32, %arg2: memref<8192x128xf32, #tpu.memory_space<hbm>>, %arg3: memref<16384xi32, #tpu.memory_space<hbm>>, %arg4: memref<16384x128xf32, #tpu.memory_space<hbm>>, %arg5: memref<512xi32, #tpu.memory_space<vmem>>, %arg6: memref<512x128xf32, #tpu.memory_space<vmem>>, %arg7: memref<!tpu.dma_semaphore, #tpu.memory_space<semaphore_mem>>) attributes {dimension_semantics = [#tpu.dimension_semantics<core_parallel>, #tpu.dimension_semantics<subcore_parallel>], iteration_bounds = array<i64: 2, 16>, scalar_prefetch = 0 : i64, scratch_operands = 3 : i64, tpu.core_type = #tpu.core_type<sc_vector_subcore>, window_params = [{transform_indices = #map}, {transform_indices = #map1}, {transform_indices = #map}]} {
    %mul3A = arith.constant 2 : i32
    %mul3A_0 = arith.muli %arg1, %mul3A : i32
    %add3A = arith.addi %mul3A_0, %arg0 : i32
    %mul3A_1 = arith.constant 512 : i32
    %mul3A_2 = arith.muli %add3A, %mul3A_1 : i32
    "tpu.region"() ({
      %run_scoped3A = tpu.sem_alloc : memref<!tpu.dma_semaphore, #tpu.memory_space<semaphore_mem>>
      %dma_start3A_7 = tpu.memref_slice %arg3[%mul3A_2] : memref<16384xi32, #tpu.memory_space<hbm>> -> memref<512xi32, #tpu.memory_space<hbm>>
      %dma_start3A_8 = tpu.memref_slice %arg3[%mul3A_2] : memref<16384xi32, #tpu.memory_space<hbm>> -> memref<512xi32, #tpu.memory_space<hbm>>
      tpu.enqueue_dma source(%dma_start3A_8 : memref<512xi32, #tpu.memory_space<hbm>>) target(%arg5 : memref<512xi32, #tpu.memory_space<vmem>>) target_semaphore(%run_scoped3A : memref<!tpu.dma_semaphore, #tpu.memory_space<semaphore_mem>>)
      %dma_wait3A_9 = tpu.memref_slice %arg3[%mul3A_2] : memref<16384xi32, #tpu.memory_space<hbm>> -> memref<512xi32, #tpu.memory_space<hbm>>
      %dma_wait3A_10 = tpu.memref_slice %arg3[%mul3A_2] : memref<16384xi32, #tpu.memory_space<hbm>> -> memref<512xi32, #tpu.memory_space<hbm>>
      tpu.wait_dma2 semaphore(%run_scoped3A : memref<!tpu.dma_semaphore, #tpu.memory_space<semaphore_mem>>) src(%dma_wait3A_10 : memref<512xi32, #tpu.memory_space<hbm>>) dst(%arg5 : memref<512xi32, #tpu.memory_space<vmem>>)
      tpu.yield
    }) : () -> ()
    %dma_start3A = arith.constant 0 : i32
    %dma_start3A_3 = arith.constant 0 : i32
    %dma_start3A_4 = tpu.memref_slice %arg2[%dma_start3A, %dma_start3A_3] : memref<8192x128xf32, #tpu.memory_space<hbm>> -> memref<8192x128xf32, #tpu.memory_space<hbm>>
    tpu.enqueue_indirect_dma source(%dma_start3A_4 : memref<8192x128xf32, #tpu.memory_space<hbm>>) target(%arg6 : memref<512x128xf32, #tpu.memory_space<vmem>>) offsets(%arg5 : memref<512xi32, #tpu.memory_space<vmem>>) semaphore(%arg7 : memref<!tpu.dma_semaphore, #tpu.memory_space<semaphore_mem>>)
    %dma_wait3A = arith.constant 0 : i32
    %dma_wait3A_5 = arith.constant 0 : i32
    %dma_wait3A_6 = tpu.memref_slice %arg2[%dma_wait3A, %dma_wait3A_5] : memref<8192x128xf32, #tpu.memory_space<hbm>> -> memref<8192x128xf32, #tpu.memory_space<hbm>>
    tpu.wait_indirect_dma semaphore(%arg7 : memref<!tpu.dma_semaphore, #tpu.memory_space<semaphore_mem>>) src(%dma_wait3A_6 : memref<8192x128xf32, #tpu.memory_space<hbm>>) dst(%arg6 : memref<512x128xf32, #tpu.memory_space<vmem>>)
    "tpu.region"() ({
      %run_scoped3A = tpu.sem_alloc : memref<!tpu.dma_semaphore, #tpu.memory_space<semaphore_mem>>
      %dma_start3A_7 = arith.constant 0 : i32
      %dma_start3A_8 = tpu.memref_slice %arg4[%mul3A_2, %dma_start3A_7] : memref<16384x128xf32, #tpu.memory_space<hbm>> -> memref<512x128xf32, #tpu.memory_space<hbm>>
      %dma_start3A_9 = arith.constant 0 : i32
      %dma_start3A_10 = tpu.memref_slice %arg4[%mul3A_2, %dma_start3A_9] : memref<16384x128xf32, #tpu.memory_space<hbm>> -> memref<512x128xf32, #tpu.memory_space<hbm>>
      tpu.enqueue_dma source(%arg6 : memref<512x128xf32, #tpu.memory_space<vmem>>) target(%dma_start3A_10 : memref<512x128xf32, #tpu.memory_space<hbm>>) target_semaphore(%run_scoped3A : memref<!tpu.dma_semaphore, #tpu.memory_space<semaphore_mem>>)
      %dma_wait3A_11 = arith.constant 0 : i32
      %dma_wait3A_12 = tpu.memref_slice %arg4[%mul3A_2, %dma_wait3A_11] : memref<16384x128xf32, #tpu.memory_space<hbm>> -> memref<512x128xf32, #tpu.memory_space<hbm>>
      %dma_wait3A_13 = arith.constant 0 : i32
      %dma_wait3A_14 = tpu.memref_slice %arg4[%mul3A_2, %dma_wait3A_13] : memref<16384x128xf32, #tpu.memory_space<hbm>> -> memref<512x128xf32, #tpu.memory_space<hbm>>
      tpu.wait_dma2 semaphore(%run_scoped3A : memref<!tpu.dma_semaphore, #tpu.memory_space<semaphore_mem>>) src(%arg6 : memref<512x128xf32, #tpu.memory_space<vmem>>) dst(%dma_wait3A_14 : memref<512x128xf32, #tpu.memory_space<hbm>>)
      tpu.yield
    }) : () -> ()
    return
  }
}

module attributes {stable_mosaic.version = 14 : i64} {
  func.func @_encode_body(%arg0: i32, %arg1: i32, %arg2: memref<1x1024x256xf32, #tpu.memory_space<vmem>>, %arg3: memref<8x1024xf32, #tpu.memory_space<vmem>>, %arg4: memref<8x1xf32, #tpu.memory_space<vmem>>, %arg5: memref<8x8192xf32, #tpu.memory_space<vmem>>, %arg6: memref<1x8192xf32, #tpu.memory_space<vmem>>, %arg7: memref<1x256x1xi32, #tpu.memory_space<vmem>>, %arg8: memref<1x8x256xf32, #tpu.memory_space<vmem>>) attributes {dimension_semantics = [#tpu.dimension_semantics<arbitrary>, #tpu.dimension_semantics<arbitrary>], iteration_bounds = array<i64: 8, 8>, scalar_prefetch = 0 : i64, scratch_operands = 0 : i64, tpu.core_type = #tpu.core_type<tc>, window_params = [{transform_indices = @transform_0, window_bounds = array<i64: 1, 1024, 256>}, {pipeline_mode = #tpu.pipeline_mode<synchronous>, transform_indices = @transform_1, window_bounds = array<i64: 8, 1024>}, {pipeline_mode = #tpu.pipeline_mode<synchronous>, transform_indices = @transform_2, window_bounds = array<i64: 8, 1>}, {pipeline_mode = #tpu.pipeline_mode<synchronous>, transform_indices = @transform_3, window_bounds = array<i64: 8, 8192>}, {pipeline_mode = #tpu.pipeline_mode<synchronous>, transform_indices = @transform_4, window_bounds = array<i64: 1, 8192>}, {transform_indices = @transform_5, window_bounds = array<i64: 1, 256, 1>}, {transform_indices = @transform_6, window_bounds = array<i64: 1, 8, 256>}]} {
    %get3A = arith.constant 0 : index
    %get3A_0 = arith.constant 0 : index
    %get3A_1 = arith.constant 0 : index
    %get3A_2 = vector.load %arg2[%get3A, %get3A_0, %get3A_1] : memref<1x1024x256xf32, #tpu.memory_space<vmem>>, vector<1x1024x256xf32>
    %get3A_3 = vector.shape_cast %get3A_2 : vector<1x1024x256xf32> to vector<1024x256xf32>
    %get3A_4 = arith.constant 0 : index
    %get3A_5 = arith.constant 0 : index
    %get3A_6 = vector.load %arg3[%get3A_4, %get3A_5] : memref<8x1024xf32, #tpu.memory_space<vmem>>, vector<8x1024xf32>
    %dot_general3A = arith.constant dense<0.000000e+00> : vector<8x256xf32>
    %dot_general3A_7 = tpu.matmul %get3A_6, %get3A_3, %dot_general3A {dimension_numbers = #tpu.dot_dimension_numbers<[1], [0], [0], [1], [0, 0, 1, 1], [], []>, transpose_lhs_hint = false} : vector<8x1024xf32>, vector<1024x256xf32>, vector<8x256xf32> -> vector<8x256xf32>
    %get3A_8 = arith.constant 0 : index
    %get3A_9 = arith.constant 0 : index
    %get3A_10 = vector.load %arg4[%get3A_8, %get3A_9] : memref<8x1xf32, #tpu.memory_space<vmem>>, vector<8x1xf32>
    %add3A = vector.broadcast %get3A_10 : vector<8x1xf32> to vector<8x256xf32>
    %add3A_11 = arith.addf %dot_general3A_7, %add3A : vector<8x256xf32>
    %swap3A = arith.constant 0 : index
    %swap3A_12 = arith.constant 0 : index
    %swap3A_13 = arith.constant 0 : index
    %swap3A_14 = vector.load %arg8[%swap3A, %swap3A_12, %swap3A_13] : memref<1x8x256xf32, #tpu.memory_space<vmem>>, vector<1x8x256xf32>
    %swap3A_15 = vector.shape_cast %swap3A_14 : vector<1x8x256xf32> to vector<8x256xf32>
    %swap3A_16 = vector.shape_cast %add3A_11 : vector<8x256xf32> to vector<1x8x256xf32>
    tpu.vector_store %arg8[%swap3A, %swap3A_12, %swap3A_13], %swap3A_16 {strides = array<i32>} : memref<1x8x256xf32, #tpu.memory_space<vmem>>, vector<1x8x256xf32>,
    %transpose3A = tpu.transpose %add3A_11, [1, 0] : vector<8x256xf32> -> vector<256x8xf32>
    %mul3A = arith.mulf %transpose3A, %transpose3A : vector<256x8xf32>
    %slice3A = vector.extract_strided_slice %mul3A {offsets = [0, 0], sizes = [256, 4], strides = [1, 1]} : vector<256x8xf32> to vector<256x4xf32>
    %slice3A_17 = vector.extract_strided_slice %mul3A {offsets = [0, 4], sizes = [256, 4], strides = [1, 1]} : vector<256x8xf32> to vector<256x4xf32>
    %add3A_18 = arith.addf %slice3A, %slice3A_17 : vector<256x4xf32>
    %slice3A_19 = vector.extract_strided_slice %add3A_18 {offsets = [0, 0], sizes = [256, 2], strides = [1, 1]} : vector<256x4xf32> to vector<256x2xf32>
    %slice3A_20 = vector.extract_strided_slice %add3A_18 {offsets = [0, 2], sizes = [256, 2], strides = [1, 1]} : vector<256x4xf32> to vector<256x2xf32>
    %add3A_21 = arith.addf %slice3A_19, %slice3A_20 : vector<256x2xf32>
    %slice3A_22 = vector.extract_strided_slice %add3A_21 {offsets = [0, 0], sizes = [256, 1], strides = [1, 1]} : vector<256x2xf32> to vector<256x1xf32>
    %slice3A_23 = vector.extract_strided_slice %add3A_21 {offsets = [0, 1], sizes = [256, 1], strides = [1, 1]} : vector<256x2xf32> to vector<256x1xf32>
    %add3A_24 = arith.addf %slice3A_22, %slice3A_23 : vector<256x1xf32>
    %sqrt3A = math.sqrt %add3A_24 : vector<256x1xf32>
    %max3A = arith.constant 9.99999996E-13 : f32
    %max3A_25 = vector.broadcast %max3A : f32 to vector<256x1xf32>
    %max3A_26 = arith.maximumf %sqrt3A, %max3A_25 : vector<256x1xf32>
    %div3A = vector.broadcast %max3A_26 : vector<256x1xf32> to vector<256x8xf32>
    %div3A_27 = arith.divf %transpose3A, %div3A : vector<256x8xf32>
    %mul3A_28 = arith.mulf %div3A_27, %div3A_27 : vector<256x8xf32>
    %slice3A_29 = vector.extract_strided_slice %mul3A_28 {offsets = [0, 0], sizes = [256, 4], strides = [1, 1]} : vector<256x8xf32> to vector<256x4xf32>
    %slice3A_30 = vector.extract_strided_slice %mul3A_28 {offsets = [0, 4], sizes = [256, 4], strides = [1, 1]} : vector<256x8xf32> to vector<256x4xf32>
    %add3A_31 = arith.addf %slice3A_29, %slice3A_30 : vector<256x4xf32>
    %slice3A_32 = vector.extract_strided_slice %add3A_31 {offsets = [0, 0], sizes = [256, 2], strides = [1, 1]} : vector<256x4xf32> to vector<256x2xf32>
    %slice3A_33 = vector.extract_strided_slice %add3A_31 {offsets = [0, 2], sizes = [256, 2], strides = [1, 1]} : vector<256x4xf32> to vector<256x2xf32>
    %add3A_34 = arith.addf %slice3A_32, %slice3A_33 : vector<256x2xf32>
    %slice3A_35 = vector.extract_strided_slice %add3A_34 {offsets = [0, 0], sizes = [256, 1], strides = [1, 1]} : vector<256x2xf32> to vector<256x1xf32>
    %slice3A_36 = vector.extract_strided_slice %add3A_34 {offsets = [0, 1], sizes = [256, 1], strides = [1, 1]} : vector<256x2xf32> to vector<256x1xf32>
    %add3A_37 = arith.addf %slice3A_35, %slice3A_36 : vector<256x1xf32>
    %get3A_38 = arith.constant 0 : index
    %get3A_39 = arith.constant 0 : index
    %get3A_40 = vector.load %arg5[%get3A_38, %get3A_39] : memref<8x8192xf32, #tpu.memory_space<vmem>>, vector<8x8192xf32>
    %dot_general3A_41 = arith.constant dense<0.000000e+00> : vector<256x8192xf32>
    %dot_general3A_42 = tpu.matmul %div3A_27, %get3A_40, %dot_general3A_41 {dimension_numbers = #tpu.dot_dimension_numbers<[1], [0], [0], [1], [0, 0, 1, 1], [], []>, transpose_lhs_hint = false} : vector<256x8xf32>, vector<8x8192xf32>, vector<256x8192xf32> -> vector<256x8192xf32>
    %mul3A_43 = arith.constant 2.000000e+00 : f32
    %mul3A_44 = vector.broadcast %mul3A_43 : f32 to vector<256x8192xf32>
    %mul3A_45 = arith.mulf %mul3A_44, %dot_general3A_42 : vector<256x8192xf32>
    %sub3A = vector.broadcast %add3A_37 : vector<256x1xf32> to vector<256x8192xf32>
    %sub3A_46 = arith.subf %sub3A, %mul3A_45 : vector<256x8192xf32>
    %get3A_47 = arith.constant 0 : index
    %get3A_48 = arith.constant 0 : index
    %get3A_49 = vector.load %arg6[%get3A_47, %get3A_48] : memref<1x8192xf32, #tpu.memory_space<vmem>>, vector<1x8192xf32>
    %add3A_50 = vector.broadcast %get3A_49 : vector<1x8192xf32> to vector<256x8192xf32>
    %add3A_51 = arith.addf %sub3A_46, %add3A_50 : vector<256x8192xf32>
    %neg3A = arith.constant 0.000000e+00 : f32
    %neg3A_52 = vector.broadcast %neg3A : f32 to vector<256x8192xf32>
    %neg3A_53 = arith.subf %neg3A_52, %add3A_51 : vector<256x8192xf32>
    %reduce_max3A = arith.constant dense<0xFF800000> : vector<256xf32>
    %reduce_max3A_54 = vector.multi_reduction <maximumf>, %neg3A_53, %reduce_max3A [1] : vector<256x8192xf32> to vector<256xf32>
    %broadcast_in_dim3A = vector.shape_cast %reduce_max3A_54 : vector<256xf32> to vector<256x1xf32>
    %iota3A = tpu.iota {dimensions = array<i32: 1>} : vector<256x8192xi32>
    %eq3A = vector.broadcast %broadcast_in_dim3A : vector<256x1xf32> to vector<256x8192xf32>
    %eq3A_55 = arith.cmpf oeq, %neg3A_53, %eq3A : vector<256x8192xf32>
    %jit3A = arith.constant 8192 : i32
    %broadcast_in_dim3A_56 = vector.broadcast %jit3A : i32 to vector<256x8192xi32>
    %select_n3A = arith.select %eq3A_55, %iota3A, %broadcast_in_dim3A_56 : vector<256x8192xi1>, vector<256x8192xi32>
    %reduce_min3A = arith.constant dense<2147483647> : vector<256xi32>
    %reduce_min3A_57 = vector.multi_reduction <minsi>, %select_n3A, %reduce_min3A [1] : vector<256x8192xi32> to vector<256xi32>
    %broadcast_in_dim3A_58 = vector.shape_cast %reduce_min3A_57 : vector<256xi32> to vector<256x1xi32>
    %swap3A_59 = arith.constant 0 : index
    %swap3A_60 = arith.constant 0 : index
    %swap3A_61 = arith.constant 0 : index
    %swap3A_62 = vector.load %arg7[%swap3A_59, %swap3A_60, %swap3A_61] : memref<1x256x1xi32, #tpu.memory_space<vmem>>, vector<1x256x1xi32>
    %swap3A_63 = vector.shape_cast %swap3A_62 : vector<1x256x1xi32> to vector<256x1xi32>
    %swap3A_64 = vector.shape_cast %broadcast_in_dim3A_58 : vector<256x1xi32> to vector<1x256x1xi32>
    tpu.vector_store %arg7[%swap3A_59, %swap3A_60, %swap3A_61], %swap3A_64 {strides = array<i32>} : memref<1x256x1xi32, #tpu.memory_space<vmem>>, vector<1x256x1xi32>,
    return
  }
  func.func @transform_0(%arg0: i32, %arg1: i32) -> (i32, i32, i32) {
    %c0_i32 = arith.constant 0 : i32
    %c0_i32_0 = arith.constant 0 : i32
    return %arg0, %c0_i32, %arg1 : i32, i32, i32
  }
  func.func @transform_1(%arg0: i32, %arg1: i32) -> (i32, i32) {
    %c0_i32 = arith.constant 0 : i32
    %c0_i32_0 = arith.constant 0 : i32
    %c0_i32_1 = arith.constant 0 : i32
    return %c0_i32, %c0_i32_0 : i32, i32
  }
  func.func @transform_2(%arg0: i32, %arg1: i32) -> (i32, i32) {
    %c0_i32 = arith.constant 0 : i32
    %c0_i32_0 = arith.constant 0 : i32
    %c0_i32_1 = arith.constant 0 : i32
    return %c0_i32, %c0_i32_0 : i32, i32
  }
  func.func @transform_3(%arg0: i32, %arg1: i32) -> (i32, i32) {
    %c0_i32 = arith.constant 0 : i32
    %c0_i32_0 = arith.constant 0 : i32
    %c0_i32_1 = arith.constant 0 : i32
    return %c0_i32, %c0_i32_0 : i32, i32
  }
  func.func @transform_4(%arg0: i32, %arg1: i32) -> (i32, i32) {
    %c0_i32 = arith.constant 0 : i32
    %c0_i32_0 = arith.constant 0 : i32
    %c0_i32_1 = arith.constant 0 : i32
    return %c0_i32, %c0_i32_0 : i32, i32
  }
  func.func @transform_5(%arg0: i32, %arg1: i32) -> (i32, i32, i32) {
    %c0_i32 = arith.constant 0 : i32
    %c0_i32_0 = arith.constant 0 : i32
    return %arg0, %arg1, %c0_i32 : i32, i32, i32
  }
  func.func @transform_6(%arg0: i32, %arg1: i32) -> (i32, i32, i32) {
    %c0_i32 = arith.constant 0 : i32
    %c0_i32_0 = arith.constant 0 : i32
    return %arg0, %c0_i32, %arg1 : i32, i32, i32
  }
}

module attributes {stable_mosaic.version = 14 : i64} {
  func.func @_decode_body(%arg0: i32, %arg1: i32, %arg2: memref<1x256x128xf32, #tpu.memory_space<vmem>>, %arg3: memref<1x8x256xf32, #tpu.memory_space<vmem>>, %arg4: memref<1024x8xf32, #tpu.memory_space<vmem>>, %arg5: memref<1024x1xf32, #tpu.memory_space<vmem>>, %arg6: memref<1x1024x256xf32, #tpu.memory_space<vmem>>) attributes {dimension_semantics = [#tpu.dimension_semantics<arbitrary>, #tpu.dimension_semantics<arbitrary>], iteration_bounds = array<i64: 8, 8>, scalar_prefetch = 0 : i64, scratch_operands = 0 : i64, tpu.core_type = #tpu.core_type<tc>, window_params = [{transform_indices = @transform_0, window_bounds = array<i64: 1, 256, 128>}, {transform_indices = @transform_1, window_bounds = array<i64: 1, 8, 256>}, {pipeline_mode = #tpu.pipeline_mode<synchronous>, transform_indices = @transform_2, window_bounds = array<i64: 1024, 8>}, {pipeline_mode = #tpu.pipeline_mode<synchronous>, transform_indices = @transform_3, window_bounds = array<i64: 1024, 1>}, {transform_indices = @transform_4, window_bounds = array<i64: 1, 1024, 256>}]} {
    %get3A = arith.constant 0 : index
    %get3A_0 = arith.constant 0 : index
    %get3A_1 = arith.constant 0 : index
    %get3A_2 = vector.load %arg2[%get3A, %get3A_0, %get3A_1] : memref<1x256x128xf32, #tpu.memory_space<vmem>>, vector<1x256x128xf32>
    %get3A_3 = vector.shape_cast %get3A_2 : vector<1x256x128xf32> to vector<256x128xf32>
    %slice3A = vector.extract_strided_slice %get3A_3 {offsets = [0, 0], sizes = [256, 8], strides = [1, 1]} : vector<256x128xf32> to vector<256x8xf32>
    %get3A_4 = arith.constant 0 : index
    %get3A_5 = arith.constant 0 : index
    %get3A_6 = arith.constant 0 : index
    %get3A_7 = vector.load %arg3[%get3A_4, %get3A_5, %get3A_6] : memref<1x8x256xf32, #tpu.memory_space<vmem>>, vector<1x8x256xf32>
    %get3A_8 = vector.shape_cast %get3A_7 : vector<1x8x256xf32> to vector<8x256xf32>
    %transpose3A = tpu.transpose %slice3A, [1, 0] : vector<256x8xf32> -> vector<8x256xf32>
    %sub3A = arith.subf %transpose3A, %get3A_8 : vector<8x256xf32>
    %add3A = arith.addf %get3A_8, %sub3A : vector<8x256xf32>
    %get3A_9 = arith.constant 0 : index
    %get3A_10 = arith.constant 0 : index
    %get3A_11 = vector.load %arg4[%get3A_9, %get3A_10] : memref<1024x8xf32, #tpu.memory_space<vmem>>, vector<1024x8xf32>
    %dot_general3A = arith.constant dense<0.000000e+00> : vector<1024x256xf32>
    %dot_general3A_12 = tpu.matmul %get3A_11, %add3A, %dot_general3A {dimension_numbers = #tpu.dot_dimension_numbers<[1], [0], [0], [1], [0, 0, 1, 1], [], []>, transpose_lhs_hint = false} : vector<1024x8xf32>, vector<8x256xf32>, vector<1024x256xf32> -> vector<1024x256xf32>
    %get3A_13 = arith.constant 0 : index
    %get3A_14 = arith.constant 0 : index
    %get3A_15 = vector.load %arg5[%get3A_13, %get3A_14] : memref<1024x1xf32, #tpu.memory_space<vmem>>, vector<1024x1xf32>
    %add3A_16 = vector.broadcast %get3A_15 : vector<1024x1xf32> to vector<1024x256xf32>
    %add3A_17 = arith.addf %dot_general3A_12, %add3A_16 : vector<1024x256xf32>
    %swap3A = arith.constant 0 : index
    %swap3A_18 = arith.constant 0 : index
    %swap3A_19 = arith.constant 0 : index
    %swap3A_20 = vector.load %arg6[%swap3A, %swap3A_18, %swap3A_19] : memref<1x1024x256xf32, #tpu.memory_space<vmem>>, vector<1x1024x256xf32>
    %swap3A_21 = vector.shape_cast %swap3A_20 : vector<1x1024x256xf32> to vector<1024x256xf32>
    %swap3A_22 = vector.shape_cast %add3A_17 : vector<1024x256xf32> to vector<1x1024x256xf32>
    tpu.vector_store %arg6[%swap3A, %swap3A_18, %swap3A_19], %swap3A_22 {strides = array<i32>} : memref<1x1024x256xf32, #tpu.memory_space<vmem>>, vector<1x1024x256xf32>,
    return
  }
  func.func @transform_0(%arg0: i32, %arg1: i32) -> (i32, i32, i32) {
    %c0_i32 = arith.constant 0 : i32
    %c0_i32_0 = arith.constant 0 : i32
    return %arg0, %arg1, %c0_i32 : i32, i32, i32
  }
  func.func @transform_1(%arg0: i32, %arg1: i32) -> (i32, i32, i32) {
    %c0_i32 = arith.constant 0 : i32
    %c0_i32_0 = arith.constant 0 : i32
    return %arg0, %c0_i32, %arg1 : i32, i32, i32
  }
  func.func @transform_2(%arg0: i32, %arg1: i32) -> (i32, i32) {
    %c0_i32 = arith.constant 0 : i32
    %c0_i32_0 = arith.constant 0 : i32
    %c0_i32_1 = arith.constant 0 : i32
    return %c0_i32, %c0_i32_0 : i32, i32
  }
  func.func @transform_3(%arg0: i32, %arg1: i32) -> (i32, i32) {
    %c0_i32 = arith.constant 0 : i32
    %c0_i32_0 = arith.constant 0 : i32
    %c0_i32_1 = arith.constant 0 : i32
    return %c0_i32, %c0_i32_0 : i32, i32
  }
  func.func @transform_4(%arg0: i32, %arg1: i32) -> (i32, i32, i32) {
    %c0_i32 = arith.constant 0 : i32
    %c0_i32_0 = arith.constant 0 : i32
    return %arg0, %c0_i32, %arg1 : i32, i32, i32
  }
}

</mosaic_0001>

<sc_bundles>
// kernel: kernel.5.cloned.1.call-start
scs
__scs_entry_jumppad:
0x0: {  	(pc) =	sbr.rel $0x88, $3  }
0x1: {  	(tag) =	ssettag $0x0;
	lr =	simm.s32 $0x1  }
0x2: {  	[smem:$0x3F99] =	sst lr;
	_ =	strace $0xD0000000  }
0x3: {  	_ = 	snop  }
0x4: {  	_ = 	snop  }
0x5: {  	_ = 	snop  }
0x6: {  	_ = 	snop  }
0x7: {  	_ = 	snop  }
__scs_overlays_trampoline_lowered:
0x8: {  	[smem:$0x3FA8] =	sst s0  }
0x9: {  	[smem:$0x3FA9] =	sst s1  }
0xa: {  	[smem:$0x3FAA] =	sst s2  }
0xb: {  	[smem:$0x3FAB] =	sst s3  }
0xc: {  	[smem:$0x3FAC] =	sst s4  }
0xd: {  	[smem:$0x3FAD] =	sst s5  }
0xe: {  	[smem:$0x3FAE] =	sst s6  }
0xf: {  	[smem:$0x3FAF] =	sst s7  }
0x10: {  	[smem:$0x3FB0] =	sst s8  }
0x11: {  	[smem:$0x3FB1] =	sst s9;
	s0 =	simm.s32 @!p0 $0x0  }
0x12: {  	s1 =	sld [smem:$0x3F97];
	s0 =	simm.s32 @p0 $0x1  }
0x13: {  	[smem:$0x3FB2] =	sst s0;
	s0 =	simm.s32 @!p1 $0x0  }
0x14: {  	s2 =	sld [smem:$0x3F96];
	s0 =	simm.s32 @p1 $0x1  }
0x15: {  	[smem:$0x3FB3] =	sst s0;
	s0 =	simm.s32 @!p2 $0x0  }
0x16: {  	s3 =	sld [smem:$0x3FDB];
	s0 =	simm.s32 @p2 $0x1  }
0x17: {  	s4 =	simm.s32 $0x1BF5;
	[smem:$0x3FB5] =	sst s0  }
0x18: {  	s0 =	sld [smem:$0x3F98];
	_ =	swait.ge [sflag:s4], $0x0  }
0x19: {  	s7 =	sld [smem:$0x3F99]  }
0x1a: {  	s8 =	sadd.s32 $0xFFFFE003, lr  }
0x1b: {  	s9 =	sadd.s32 $0xFFFFFEF7, lr;
	s5 =	simm.s32 $0xFFFFFFFF;
	p2 =	slt.u32 s8, $0xFFFFF086  }
0x1c: {  	p1 =	slt.u32 s9, $0xF7A;
	s5 =	simm.s32 @!p2 $0x0  }
0x1d: {  	s5 =	simm.s32 @p1 $0x1;
	p0 =	seq.s32 s7, s2  }
0x1e: {  	s7 =	smul.u32 @!p0 $0xF7A, s2;
	p2 =	seq.s32 @!p0 s5, $0x0  }
0x1f: {  	s9 =	smul.u32 $0xF7A, s1;
	s8 =	simm.s32 @!p0 $0x1BF5;
	p2 =	por !p2, p0  }
0x20: {  	[sflag:s8] =	ssyncset.s32 @!p0 $0xFFFFF086;
	s6 =	sadd.s32 @!p0 s3, s7;
	s7 =	simm.s32 @!p0 $0x108  }
0x21: {  	s3 =	sadd.s32 s3, s9;
	s6 =	sadd.s32 @!p0 $0x88, s6;
	s7 =	simm.s32 @p2 $0x1082  }
0x22: {  	[simem:s7], [sflag:s8] =	dma.local @!p0 [hbm:s6], $0xF7A  }
0x23: {  	s9 =	sor.u32 $0xD0000000, s2;
	s6 =	simm.s32 $0x108;
	_ =	swait.ge @!p0 [sflag:s8], $0x0  }
0x24: {  	s3 =	sadd.s32 $0x88, s3;
	s6 =	simm.s32 @!p1 $0x1082;
	[sflag:s4] =	ssyncset.s32 $0xFFFFF086  }
0x25: {  	[simem:s6], [sflag:s4] =	dma.local [hbm:s3], $0xF7A  }
0x26: {  	[smem:$0x3F99] =	sst s1;
	(tag) =	ssettag s2;
	_ =	strace s9  }
0x27: {  	s1 =	sld [smem:$0x3FA9]  }
0x28: {  	s2 =	sld [smem:$0x3FAA]  }
0x29: {  	s4 =	sld [smem:$0x3FAC]  }
0x2a: {  	p0 =	seq.s32 s5, $0x0;
	s5 =	sld [smem:$0x3FAD]  }
0x2b: {  	s6 =	sld [smem:$0x3FAE]  }
0x2c: {  	s7 =	sld [smem:$0x3FAF]  }
0x2d: {  	s3 =	simm.s32 $0x108;
	s8 =	sld [smem:$0x3FB0]  }
0x2e: {  	s3 =	simm.s32 @!p0 $0x1082;
	s9 =	sld [smem:$0x3FB1]  }
0x2f: {  	lr =	sadd.s32 s0, s3;
	s0 =	sld [smem:$0x3FA8]  }
0x30: {  	s3 =	sld [smem:$0x3FAB]  }
0x31: {  	[smem:$0x3FB4] =	sst s10  }
0x32: {  	s10 =	sld [smem:$0x3FB2];
	_ =	sdelay $0x3  }
0x33: {  	p0 =	seq.s32 s10, $0x1;
	s10 =	sld [smem:$0x3FB4];
	_ =	sdelay $0x3  }
0x34: {  	[smem:$0x3FB4] =	sst s10  }
0x35: {  	s10 =	sld [smem:$0x3FB3];
	_ =	sdelay $0x3  }
0x36: {  	p1 =	seq.s32 s10, $0x1;
	s10 =	sld [smem:$0x3FB4];
	_ =	sdelay $0x3  }
0x37: {  	[smem:$0x3FB4] =	sst s10  }
0x38: {  	s10 =	sld [smem:$0x3FB5]  }
0x39: {  	_ = 	snop;
	(pc) =	sbr.ind lr, $3  }
0x3a: {  	_ = 	snop  }
0x3b: {  	_ = 	snop  }
0x3c: {  	p2 =	seq.s32 s10, $0x1;
	s10 =	sld [smem:$0x3FB4]  }
0x3d: {  	_ =	shalt  }
0x3e: {  	_ =	shalt  }
0x3f: {  	_ =	shalt  }
0x40: {  	_ =	shalt  }
0x41: {  	_ =	shalt  }
0x42: {  	_ =	shalt  }
0x43: {  	_ =	shalt  }
0x44: {  	_ =	shalt  }
0x45: {  	_ =	shalt  }
0x46: {  	_ =	shalt  }
0x47: {  	_ =	shalt  }
0x48: {  	_ =	shalt  }
0x49: {  	_ =	shalt  }
0x4a: {  	_ =	shalt  }
0x4b: {  	_ =	shalt  }
0x4c: {  	_ =	shalt  }
0x4d: {  	_ =	shalt  }
0x4e: {  	_ =	shalt  }
0x4f: {  	_ =	shalt  }
0x50: {  	_ =	shalt  }
0x51: {  	_ =	shalt  }
0x52: {  	_ =	shalt  }
0x53: {  	_ =	shalt  }
0x54: {  	_ =	shalt  }
0x55: {  	_ =	shalt  }
0x56: {  	_ =	shalt  }
0x57: {  	_ =	shalt  }
0x58: {  	_ =	shalt  }
0x59: {  	_ =	shalt  }
0x5a: {  	_ =	shalt  }
0x5b: {  	_ =	shalt  }
0x5c: {  	_ =	shalt  }
0x5d: {  	_ =	shalt  }
0x5e: {  	_ =	shalt  }
0x5f: {  	_ =	shalt  }
0x60: {  	_ =	shalt  }
0x61: {  	_ =	shalt  }
0x62: {  	_ =	shalt  }
0x63: {  	_ =	shalt  }
0x64: {  	_ =	shalt  }
0x65: {  	_ =	shalt  }
0x66: {  	_ =	shalt  }
0x67: {  	_ =	shalt  }
0x68: {  	_ =	shalt  }
0x69: {  	_ =	shalt  }
0x6a: {  	_ =	shalt  }
0x6b: {  	_ =	shalt  }
0x6c: {  	_ =	shalt  }
0x6d: {  	_ =	shalt  }
0x6e: {  	_ =	shalt  }
0x6f: {  	_ =	shalt  }
0x70: {  	_ =	shalt  }
0x71: {  	_ =	shalt  }
0x72: {  	_ =	shalt  }
0x73: {  	_ =	shalt  }
0x74: {  	_ =	shalt  }
0x75: {  	_ =	shalt  }
0x76: {  	_ =	shalt  }
0x77: {  	_ =	shalt  }
0x78: {  	_ =	shalt  }
0x79: {  	_ =	shalt  }
0x7a: {  	_ =	shalt  }
0x7b: {  	_ =	shalt  }
0x7c: {  	_ =	shalt  }
0x7d: {  	_ =	shalt  }
0x7e: {  	_ =	shalt  }
0x7f: {  	_ =	shalt  }
0x80: {  	_ =	shalt  }
0x81: {  	_ =	shalt  }
0x82: {  	_ =	shalt  }
0x83: {  	_ =	shalt  }
0x84: {  	_ =	shalt  }
0x85: {  	_ =	shalt  }
0x86: {  	_ =	shalt  }
0x87: {  	_ =	shalt  }
.Lfunc_end0:
.L_simem_size_0:
called_computation_lowered:
.L_overlay_start_0:
0x88: {  	s2 =	sld [smem:$0x3FD9]  }
0x89: {  	s3 =	sld [smem:$0x3FFE];
	_ =	sdelay $0x1  }
0x8a: {  	s1 =	srdreg.scid  }
0x8b: {  	s0 =	sand.u32 $0x1, s1  }
0x8c: {  	s14 =	sshll.u32 s0, $0xA;
	s2 =	sadd.s32 s3, s2  }
0x8d: {  	s2 =	sadd.s32 s2, s14  }
0x8e: {  	[smem:$0x3FC0] =	sst s2  }
0x8f: {  	_ = 	snop  }
0x90: {  	s2 =	sld [smem:$0x3FD0];
	_ =	sdelay $0x2  }
0x91: {  	s15 =	simm.s32 $0xA;
	s4 =	simm.s32 $0x10  }
0x92: {  	[smem:s4], [sflag:s15] =	dma.local [hbm:s2], $0x1  }
0x93: {  	_ =	swait.eq [sflag:s15], $0x1  }
0x94: {  	[sflag:s15] =	ssyncset.done $0x0  }
0x95: {  	[sflag:s15] =	ssyncadd.s32 $0xFFFFFFFF  }
0x96: {  	s16 =	sld [smem:$0x10];
	(tm) =	ssettm $0x1  }
0x97: {  	s17 =	sld [smem:$0x3FFB];
	_ =	sdelay $0x3  }
0x98: {  	_ =	strace s17  }
0x99: {  	s3 =	sld [smem:$0x3FFC];
	_ =	sdelay $0x3  }
0x9a: {  	_ =	strace s3  }
0x9b: {  	s3 =	sld [smem:$0x3FFD];
	_ =	sdelay $0x3  }
0x9c: {  	_ =	strace s3  }
0x9d: {  	_ =	strace $0x8FFFFFFF  }
0x9e: {  	s18 =	sld [smem:$0x3FDB];
	_ =	sdelay $0x1  }
0x9f: {  	s19 =	simm.s32 $_scs_section_size  }
0xa0: {  	s5 =	simm.s32 $_size__tile_overlayer_lowered;
	s6 =	simm.s32 $_tile_overlayer_lowered  }
0xa1: {  	s22 =	simm.s32 $0x1BFF;
	s21 =	sshll.u32 s6, $0x1;
	s3 =	sadd.s32 s19, s18  }
0xa2: {  	s7 =	simm.s32 $0x0;
	s20 =	sshll.u32 s5, $0x1;
	s5 =	sadd.s32 s21, s3  }
0xa3: {  	[timem:s7], [sflag:s22] =	dma.local [hbm:s5], s20  }
0xa4: {  	_ =	swait.ge [sflag:s22], s20  }
0xa5: {  	s4 =	ssub.s32 $0x0, s20;
	[sflag:s22] =	ssyncset.done $0x0  }
0xa6: {  	[sflag:s22] =	ssyncadd.s32 s4;
	_ =	sdelay $0x1  }
0xa7: {  	s23 =	simm.s32 $0x1B8B  }
0xa8: {  	_ =	swait.ge [sflag:s23], $0x1  }
0xa9: {  	[sflag:s23] =	ssyncset.done $0x0  }
0xaa: {  	s25 =	simm.s32 $0x1B8E;
	s24 =	sld [smem:$0x3FFE];
	[sflag:s23] =	ssyncadd.s32 $0xFFFFFFFF  }
0xab: {  	s26 =	simm.s32 $execute0_lowered;
	[smem:$0x3FD2] =	sst s25  }
0xac: {  	s5 =	sshll.u32 s26, $0x1;
	_ =	strace $0x80000046;
	[dreg:$0x1] =	wrdreg $0xFFFFFFFF  }
0xad: {  	s28 =	simm.s32 $_size_execute0_lowered;
	s3 =	sadd.s32 s3, s5;
	[dreg:$0x0] =	wrdreg $0x0  }
0xae: {  	s5 =	sshll.u32 s28, $0x1;
	[dreg:$0x2] =	wrdreg s3  }
0xaf: {  	[dreg:$0x3] =	wrdreg s5  }
0xb0: {  	[dreg:$0x4] =	wrdreg $0xC0  }
0xb1: {  	_ =	task [dreg:s7], $0x5FFFF  }
0xb2: {  	[dreg:$0x1] =	wrdreg $0xFFFFFFFF  }
0xb3: {  	[dreg:$0x0] =	wrdreg $0x60  }
0xb4: {  	[dreg:$0x2] =	wrdreg s24  }
0xb5: {  	[dreg:$0x3] =	wrdreg s16  }
0xb6: {  	[dreg:$0x4] =	wrdreg $0x9  }
0xb7: {  	_ =	task.clear_ibuf [dreg:s7], $0x5FFFF;
	_ =	strace $0x90000046  }
0xb8: {  	s29 =	simm.s32 $0x9;
	_ =	strace $0x80000048  }
0xb9: {  	_ =	swait.ge [sflag:s29], $0x1  }
0xba: {  	[sflag:s29] =	ssyncadd.s32 $0xFFFFFFFF  }
0xbb: {  	_ =	strace $0x90000048  }
0xbc: {  	_ =	sfence  }
0xbd: {  	s30 =	sld [smem:$0x0];
	_ =	sdelay $0x2  }
0xbe: {  	s31 =	sshll.u32 s1, $0xD;
	s1 =	sshrl.u32 s1, $0x2  }
0xbf: {  	s3 =	sand.u32 $0x4000, s31;
	s1 =	sadd.s32 s1, s30  }
0xc0: {  	s0 =	sor.u32 s3, s0;
	s1 =	sshll.u32 s1, $0x11  }
0xc1: {  	s0 =	sor.u32 s1, s0  }
0xc2: {  	s0 =	sadd.s32 $0x8F2B, s0  }
0xc3: {  	[sflag:s0] =	ssyncadd.remote.s32 $0x1  }
0xc4: {  	_ =	sfence.sel $0xFFFF  }
0xc5: {  	[dreg:$0x0] =	wrdreg $0xFFFFFFFF;
	(pc) =	sbr.abs _section_cstart, $3  }
0xc6: {  	[dreg:$0x1] =	wrdreg $0xFFFFFFFF  }
0xc7: {  	_ =	task.clear_ibuf [dreg:s7], $0x2FFFF;
	_ =	strace $0x9FFFFFFF  }
0xc8: {  	(tm) =	ssettm $0x7FFFFFFF  }
0xc9: {  	_ =	shalt  }
tec
execute0_lowered:
.L_overlay_start_1:
0x0: {  	(tag) =	ssettag $0x1  }
0x1: {  	s1 =	srdreg.scid;
	s5 =	rddreg [dreg:$0x0]  }
0x2: {  	s0 =	stileid.u32;
	s8 =	rddreg [dreg:$0x1];
	s6 =	sand.u32 $0x1, s1  }
0x3: {  	s2 =	simm.s32 $0x0;
	s3 =	sshll.u32 s0, $0xA;
	s4 =	sshll.u32 s6, $0x9  }
0x4: {  	[smem:$0x7FF] =	sst s2;
	s9 =	sor.u32 s4, s3  }
0x5: {  	s1 =	rddreg [dreg:$0x2];
	_ =	strace $0x80000047;
	s3 =	sshrl.u32 s9, $0x3  }
0x6: {  	s10 =	ssub.s32 $0x2, s6;
	s4 =	sadd.s32 s5, s3;
	s3 =	simm.s32 $0x2  }
0x7: {  	[tilespmem:s2], [sflag:$0x2] =	stream.linear.gather [hbm4b:s4+s2], $0x200, $0x38;
	[tilespmem:$0x10200] =	vst v63  }
0x8: {  	s7 =	simm.s32 $0x1;
	s11 =	sshrl.u32 s10, $0x1;
	_ =	swait.ge [sflag:s3], $0x200  }
0x9: {  	s6 =	simm.s32 $0x200;
	s10 =	ssub.s32 s10, s11;
	[sflag:s3] =	ssyncset.done $0x0  }
0xa: {  	s5 =	sadd.s32 $0x800, s5;
	s31 =	smax.u32 s10, $0x1;
	[sflag:s3] =	ssyncadd.s32 $0xFFFFFE00  }
0xb: {  	[tilespmem:s6], [sflag:$0x1] =	stream.indirect.gather [hbm4b:s5+s6], $0x80, s2, s6, $0xb8;
	[tilespmem:$0x10200] =	vst v63  }
0xc: {  	p0 =	sne.s32 s31, $0x1;
	_ =	swait.ge [sflag:s7], $0x10000  }
.Ltmp0:
0xd: {  	s9 =	sshll.u32 s9, $0x4;
	[sflag:s7] =	ssyncset.done $0x0;
	(pc) =	sbr.rel @!p0 .LBB2_2-.Ltmp0, $4  }
0xe: {  	s8 =	sadd.s32 s8, s9;
	[sflag:s7] =	ssyncadd.s32 $0xFFFF0000  }
0xf: {  	[hbm4b:s8+s2] =	stream.linear.scatter [tilespmem:s6], [sflag:$0x2], $0x10000, $0x38;
	[tilespmem:$0x10200] =	vst v63  }
0x10: {  	_ =	swait.ge [sflag:s3], $0x10000  }
0x11: {  	s9 =	sadd.s32 $0xFFFFFFFF, s31;
	[sflag:s3] =	ssyncset.done $0x0  }
.LBB2_1:
0x12: {  	p0 =	sne.s32 s9, $0x1;
	s9 =	sadd.s32 $0xFFFFFFFF, s9;
	[sflag:s3] =	ssyncadd.s32 $0xFFFF0000  }
0x13: {  	[tilespmem:s2], [sflag:$0x2] =	stream.linear.gather [hbm4b:s4+s2], $0x200, $0x38;
	[tilespmem:$0x10200] =	vst v63  }
0x14: {  	_ =	swait.ge [sflag:s3], $0x200  }
0x15: {  	[sflag:s3] =	ssyncset.done $0x0  }
0x16: {  	[sflag:s3] =	ssyncadd.s32 $0xFFFFFE00  }
0x17: {  	[tilespmem:s6], [sflag:$0x1] =	stream.indirect.gather [hbm4b:s5+s6], $0x80, s2, s6, $0xb8;
	[tilespmem:$0x10200] =	vst v63  }
0x18: {  	_ =	swait.ge [sflag:s7], $0x10000  }
.Ltmp1:
0x19: {  	[sflag:s7] =	ssyncset.done $0x0;
	(pc) =	sbr.rel @p0 .LBB2_1-.Ltmp1, $4  }
0x1a: {  	[sflag:s7] =	ssyncadd.s32 $0xFFFF0000  }
0x1b: {  	[hbm4b:s8+s2] =	stream.linear.scatter [tilespmem:s6], [sflag:$0x2], $0x10000, $0x38;
	[tilespmem:$0x10200] =	vst v63  }
0x1c: {  	_ =	swait.ge [sflag:s3], $0x10000  }
0x1d: {  	[sflag:s3] =	ssyncset.done $0x0  }
.LBB2_2:
0x1e: {  	[sflag:s3] =	ssyncadd.s32 $0xFFFF0000  }
0x1f: {  	_ =	sfence.sel $0x180000  }
0x20: {  	[bflag:$0x0] =	sbarrier.arrive $0xFFFF  }
0x21: {  	p0 =	sne.s32 s0, $0x0;
	_ =	strace $0x90000047  }
0x22: {  	s0 =	sadd.s32 @!p0 $0x100000, s1;
	[bflag:$0x2] =	sbarrier.arrive $0xFFFF  }
0x23: {  	[sflag:s0] =	ssyncadd.tile.s32 @!p0 $0x1;
	_ =	shalt  }
.Lfunc_end2:
_tile_overlayer_lowered:
.L_overlay_start_2:
0x24: {  	(tag) =	ssettag $0x2  }
0x25: {  	s0 =	rddreg [dreg:$0x0];
	s2 =	stileid.u32  }
0x26: {  	s1 =	rddreg [dreg:$0x1];
	p0 =	sne.s32 s2, $0x0  }
0x27: {  	s3 =	rddreg [dreg:$0x2];
	[bflag:$0x3] =	sbarrier.arrive $0xFFFF;
	s2 =	simm.s32 @!p0 $0x1C02  }
0x28: {  	[timem:s3], [sflag:s2] =	dma.local @!p0 [hbm:s0], s1  }
0x29: {  	s0 =	simm.s32 @!p0 $0x2  }
0x2a: {  	_ =	swait.ge @!p0 [sflag:s0], s1  }
0x2b: {  	s1 =	ssub.s32 @!p0 $0x0, s1;
	[sflag:s0] =	ssyncset.done @!p0 $0x0  }
0x2c: {  	[sflag:s0] =	ssyncadd.s32 @!p0 s1  }
0x2d: {  	[bflag:$0x3] =	sbarrier.arrive $0xFFFF  }
0x2e: {  	_ =	shalt  }

</sc_bundles>
